<compile_context>
chip_gen: v7x
topology: tpu7x:2x2x1
jax: 0.10.2.dev20260603
libtpu: 0.0.44.dev20260713+nightly
codegen_flags: <defaults>
</compile_context>

<pallas_src>
import functools

import jax
import jax.numpy as jnp
from jax import lax
from jax.experimental import pallas as pl
from jax.experimental.pallas import tpu as pltpu
from jax.experimental.pallas import tpu_sc as plsc

_L = 16
_REP = 128
_NC = 2
_NS = 16
_NW = _NC * _NS

_CHUNK_ROWS = 32


def _make_expand(n, b):
    rows_per_w = n // _NW
    out_per_w = rows_per_w * _REP
    n_chunks = rows_per_w // _CHUNK_ROWS
    chunk_out = _CHUNK_ROWS * _REP

    mesh = plsc.VectorSubcoreMesh(core_axis_name="c", subcore_axis_name="s")

    @functools.partial(
        pl.kernel,
        mesh=mesh,
        compiler_params=pltpu.CompilerParams(needs_layout_passes=False),
        out_type=jax.ShapeDtypeStruct((b,), jnp.float32),
        scratch_types=[
            pltpu.VMEM((rows_per_w,), jnp.float32),
            pltpu.VMEM((out_per_w,), jnp.float32),
            pltpu.SemaphoreType.DMA,
        ],
    )
    def expand_kernel(x_hbm, out_hbm, x_v, out_v, sem):
        wid = lax.axis_index("s") * _NC + lax.axis_index("c")
        base_row = wid * rows_per_w
        pltpu.sync_copy(x_hbm.at[pl.ds(base_row, rows_per_w)], x_v)

        def chunk(c, _):
            def row(r, _):
                idx = jnp.full((_L,), c * _CHUNK_ROWS + r, dtype=jnp.int32)
                val = plsc.load_gather(x_v, [idx])
                base = c * chunk_out + r * _REP
                for g in range(_REP // _L):
                    out_v[pl.ds(base + g * _L, _L)] = val
                return 0

            lax.fori_loop(0, _CHUNK_ROWS, row, 0, unroll=4)
            pltpu.async_copy(
                out_v.at[pl.ds(c * chunk_out, chunk_out)],
                out_hbm.at[pl.ds(base_row * _REP + c * chunk_out, chunk_out)],
                sem,
            )
            return 0

        lax.fori_loop(0, n_chunks, chunk, 0)
        pltpu.make_async_copy(
            out_v, out_hbm.at[pl.ds(base_row * _REP, out_per_w)], sem
        ).wait()

    return expand_kernel


def kernel(X, idx_weight):
    n = X.shape[0]
    b = idx_weight.shape[0]
    return _make_expand(n, b)(X)

# --- scband reference (transcript-rebuilt; emitter-appended) ---
"""Pipeline reference for scband-equivariant-vector-2662879723968 (READ-ONLY COPY).

The authoritative reference and input builder live on the scoring server;
editing this copy changes nothing except your own understanding.
"""

import jax, jax.numpy as jnp
import numpy as np

OUT_GENERATORS = [[(i + 1) % 128 for i in range(128)]]
OUT_CHANNELS = 16384


def create_colored_vector(output_generators):
    n = len(output_generators[0])
    colors = {}
    color_idx = 0
    for s in range(n):
        if s in colors:
            continue
        stack = [s]
        colors[s] = color_idx
        while stack:
            i = stack.pop()
            for g in output_generators:
                j = g[i]
                if j not in colors:
                    colors[j] = color_idx
                    stack.append(j)
        color_idx += 1
    return colors, color_idx


def build_idx_weight():
    gens = OUT_GENERATORS
    out_features = len(gens[0])
    colors, num_colors_v = create_colored_vector(gens)
    color_arr = np.array([colors[k] for k in range(out_features)], dtype=np.int64)
    # idx_weight[i*out_features + k] = i*num_colors_v + colors[k]
    idx_weight = (np.arange(OUT_CHANNELS, dtype=np.int64)[:, None] * num_colors_v + color_arr[None, :]).reshape(-1)
    num_weights = num_colors_v * OUT_CHANNELS
    return idx_weight, num_weights


def setup_inputs(seed: int = 0) -> dict:
    key = jax.random.key(seed)
    idx_weight, num_weights = build_idx_weight()
    X = jax.random.normal(key, (num_weights,), dtype=jnp.float32)
    return {"X": X, "idx_weight": jnp.asarray(idx_weight)}


def reference(X, idx_weight):
    # Faithful translation of EquivariantVector.forward: X[self.idx_weight]
    return jnp.take(X, idx_weight, axis=0)

if __name__ == "__main__":
    import jax
    _d = setup_inputs()
    print(jax.jit(kernel)(*tuple(_d.values())))

</pallas_src>

<mosaic_0001>
#map = affine_map<(d0, d1) -> (0)>
module attributes {stable_mosaic.version = 14 : i64} {
  func.func @expand_kernel(%arg0: i32, %arg1: i32, %arg2: memref<16384xf32, #tpu.memory_space<hbm>>, %arg3: memref<2097152xf32, #tpu.memory_space<hbm>>, %arg4: memref<512xf32, #tpu.memory_space<vmem>>, %arg5: memref<65536xf32, #tpu.memory_space<vmem>>, %arg6: memref<!tpu.dma_semaphore, #tpu.memory_space<semaphore_mem>>) attributes {dimension_semantics = [#tpu.dimension_semantics<core_parallel>, #tpu.dimension_semantics<subcore_parallel>], iteration_bounds = array<i64: 2, 16>, scalar_prefetch = 0 : i64, scratch_operands = 3 : i64, tpu.core_type = #tpu.core_type<sc_vector_subcore>, window_params = [{transform_indices = #map}, {transform_indices = #map}]} {
    %mul3A = arith.constant 2 : i32
    %mul3A_0 = arith.muli %arg1, %mul3A : i32
    %add3A = arith.addi %mul3A_0, %arg0 : i32
    %mul3A_1 = arith.constant 512 : i32
    %mul3A_2 = arith.muli %add3A, %mul3A_1 : i32
    "tpu.region"() ({
      %run_scoped3A = tpu.sem_alloc : memref<!tpu.dma_semaphore, #tpu.memory_space<semaphore_mem>>
      %dma_start3A = tpu.memref_slice %arg2[%mul3A_2] : memref<16384xf32, #tpu.memory_space<hbm>> -> memref<512xf32, #tpu.memory_space<hbm>>
      %dma_start3A_12 = tpu.memref_slice %arg2[%mul3A_2] : memref<16384xf32, #tpu.memory_space<hbm>> -> memref<512xf32, #tpu.memory_space<hbm>>
      tpu.enqueue_dma source(%dma_start3A_12 : memref<512xf32, #tpu.memory_space<hbm>>) target(%arg4 : memref<512xf32, #tpu.memory_space<vmem>>) target_semaphore(%run_scoped3A : memref<!tpu.dma_semaphore, #tpu.memory_space<semaphore_mem>>)
      %dma_wait3A_13 = tpu.memref_slice %arg2[%mul3A_2] : memref<16384xf32, #tpu.memory_space<hbm>> -> memref<512xf32, #tpu.memory_space<hbm>>
      %dma_wait3A_14 = tpu.memref_slice %arg2[%mul3A_2] : memref<16384xf32, #tpu.memory_space<hbm>> -> memref<512xf32, #tpu.memory_space<hbm>>
      tpu.wait_dma2 semaphore(%run_scoped3A : memref<!tpu.dma_semaphore, #tpu.memory_space<semaphore_mem>>) src(%dma_wait3A_14 : memref<512xf32, #tpu.memory_space<hbm>>) dst(%arg4 : memref<512xf32, #tpu.memory_space<vmem>>)
      tpu.yield
    }) : () -> ()
    %scan3A = arith.constant 0 : i32
    %scan3A_3 = arith.constant 0 : i32
    %scan3A_4 = arith.constant 16 : i32
    %scan3A_5 = arith.addi %scan3A_3, %scan3A_4 : i32
    %scan3A_6 = arith.constant 1 : i32
    %scan3A_7 = scf.for %scan3A_12 = %scan3A_3 to %scan3A_5 step %scan3A_6 iter_args(%scan3A_13 = %scan3A) -> (i32)  : i32 {
      %scan3A_14 = arith.constant 0 : i32
      %scan3A_15 = arith.constant 0 : i32
      %scan3A_16 = arith.constant 32 : i32
      %scan3A_17 = arith.addi %scan3A_15, %scan3A_16 : i32
      %scan3A_18 = arith.constant 4 : i32
      %scan3A_19 = scf.for %scan3A_32 = %scan3A_15 to %scan3A_17 step %scan3A_18 iter_args(%scan3A_33 = %scan3A_14) -> (i32)  : i32 {
        %mul3A_34 = arith.constant 32 : i32
        %mul3A_35 = arith.muli %scan3A_12, %mul3A_34 : i32
        %add3A_36 = arith.addi %mul3A_35, %scan3A_32 : i32
        %broadcast_in_dim3A = vector.broadcast %add3A_36 : i32 to vector<16xi32>
        %gather3A = tpu.vector_load_idx %arg4[%broadcast_in_dim3A] : memref<512xf32, #tpu.memory_space<vmem>>[vector<16xi32>], vector<16xf32>,
        %mul3A_37 = arith.constant 4096 : i32
        %mul3A_38 = arith.muli %scan3A_12, %mul3A_37 : i32
        %mul3A_39 = arith.constant 128 : i32
        %mul3A_40 = arith.muli %scan3A_32, %mul3A_39 : i32
        %add3A_41 = arith.addi %mul3A_38, %mul3A_40 : i32
        %add3A_42 = arith.constant 0 : i32
        %add3A_43 = arith.addi %add3A_41, %add3A_42 : i32
        %swap3A = arith.index_cast %add3A_43 : i32 to index
        %swap3A_44 = tpu.vector_load %arg5[%swap3A] {strides = array<i32>} : memref<65536xf32, #tpu.memory_space<vmem>>, vector<16xf32>,
        tpu.vector_store %arg5[%swap3A], %gather3A {strides = array<i32>} : memref<65536xf32, #tpu.memory_space<vmem>>, vector<16xf32>,
        %add3A_45 = arith.constant 16 : i32
        %add3A_46 = arith.addi %add3A_41, %add3A_45 : i32
        %swap3A_47 = arith.index_cast %add3A_46 : i32 to index
        %swap3A_48 = tpu.vector_load %arg5[%swap3A_47] {strides = array<i32>} : memref<65536xf32, #tpu.memory_space<vmem>>, vector<16xf32>,
        tpu.vector_store %arg5[%swap3A_47], %gather3A {strides = array<i32>} : memref<65536xf32, #tpu.memory_space<vmem>>, vector<16xf32>,
        %add3A_49 = arith.constant 32 : i32
        %add3A_50 = arith.addi %add3A_41, %add3A_49 : i32
        %swap3A_51 = arith.index_cast %add3A_50 : i32 to index
        %swap3A_52 = tpu.vector_load %arg5[%swap3A_51] {strides = array<i32>} : memref<65536xf32, #tpu.memory_space<vmem>>, vector<16xf32>,
        tpu.vector_store %arg5[%swap3A_51], %gather3A {strides = array<i32>} : memref<65536xf32, #tpu.memory_space<vmem>>, vector<16xf32>,
        %add3A_53 = arith.constant 48 : i32
        %add3A_54 = arith.addi %add3A_41, %add3A_53 : i32
        %swap3A_55 = arith.index_cast %add3A_54 : i32 to index
        %swap3A_56 = tpu.vector_load %arg5[%swap3A_55] {strides = array<i32>} : memref<65536xf32, #tpu.memory_space<vmem>>, vector<16xf32>,
        tpu.vector_store %arg5[%swap3A_55], %gather3A {strides = array<i32>} : memref<65536xf32, #tpu.memory_space<vmem>>, vector<16xf32>,
        %add3A_57 = arith.constant 64 : i32
        %add3A_58 = arith.addi %add3A_41, %add3A_57 : i32
        %swap3A_59 = arith.index_cast %add3A_58 : i32 to index
        %swap3A_60 = tpu.vector_load %arg5[%swap3A_59] {strides = array<i32>} : memref<65536xf32, #tpu.memory_space<vmem>>, vector<16xf32>,
        tpu.vector_store %arg5[%swap3A_59], %gather3A {strides = array<i32>} : memref<65536xf32, #tpu.memory_space<vmem>>, vector<16xf32>,
        %add3A_61 = arith.constant 80 : i32
        %add3A_62 = arith.addi %add3A_41, %add3A_61 : i32
        %swap3A_63 = arith.index_cast %add3A_62 : i32 to index
        %swap3A_64 = tpu.vector_load %arg5[%swap3A_63] {strides = array<i32>} : memref<65536xf32, #tpu.memory_space<vmem>>, vector<16xf32>,
        tpu.vector_store %arg5[%swap3A_63], %gather3A {strides = array<i32>} : memref<65536xf32, #tpu.memory_space<vmem>>, vector<16xf32>,
        %add3A_65 = arith.constant 96 : i32
        %add3A_66 = arith.addi %add3A_41, %add3A_65 : i32
        %swap3A_67 = arith.index_cast %add3A_66 : i32 to index
        %swap3A_68 = tpu.vector_load %arg5[%swap3A_67] {strides = array<i32>} : memref<65536xf32, #tpu.memory_space<vmem>>, vector<16xf32>,
        tpu.vector_store %arg5[%swap3A_67], %gather3A {strides = array<i32>} : memref<65536xf32, #tpu.memory_space<vmem>>, vector<16xf32>,
        %add3A_69 = arith.constant 112 : i32
        %add3A_70 = arith.addi %add3A_41, %add3A_69 : i32
        %swap3A_71 = arith.index_cast %add3A_70 : i32 to index
        %swap3A_72 = tpu.vector_load %arg5[%swap3A_71] {strides = array<i32>} : memref<65536xf32, #tpu.memory_space<vmem>>, vector<16xf32>,
        tpu.vector_store %arg5[%swap3A_71], %gather3A {strides = array<i32>} : memref<65536xf32, #tpu.memory_space<vmem>>, vector<16xf32>,
        %scan3A_73 = arith.constant 0 : i32
        %scan3A_74 = arith.constant 1 : i32
        %scan3A_75 = arith.addi %scan3A_32, %scan3A_74 : i32
        %mul3A_76 = arith.constant 32 : i32
        %mul3A_77 = arith.muli %scan3A_12, %mul3A_76 : i32
        %add3A_78 = arith.addi %mul3A_77, %scan3A_75 : i32
        %broadcast_in_dim3A_79 = vector.broadcast %add3A_78 : i32 to vector<16xi32>
        %gather3A_80 = tpu.vector_load_idx %arg4[%broadcast_in_dim3A_79] : memref<512xf32, #tpu.memory_space<vmem>>[vector<16xi32>], vector<16xf32>,
        %mul3A_81 = arith.constant 4096 : i32
        %mul3A_82 = arith.muli %scan3A_12, %mul3A_81 : i32
        %mul3A_83 = arith.constant 128 : i32
        %mul3A_84 = arith.muli %scan3A_75, %mul3A_83 : i32
        %add3A_85 = arith.addi %mul3A_82, %mul3A_84 : i32
        %add3A_86 = arith.constant 0 : i32
        %add3A_87 = arith.addi %add3A_85, %add3A_86 : i32
        %swap3A_88 = arith.index_cast %add3A_87 : i32 to index
        %swap3A_89 = tpu.vector_load %arg5[%swap3A_88] {strides = array<i32>} : memref<65536xf32, #tpu.memory_space<vmem>>, vector<16xf32>,
        tpu.vector_store %arg5[%swap3A_88], %gather3A_80 {strides = array<i32>} : memref<65536xf32, #tpu.memory_space<vmem>>, vector<16xf32>,
        %add3A_90 = arith.constant 16 : i32
        %add3A_91 = arith.addi %add3A_85, %add3A_90 : i32
        %swap3A_92 = arith.index_cast %add3A_91 : i32 to index
        %swap3A_93 = tpu.vector_load %arg5[%swap3A_92] {strides = array<i32>} : memref<65536xf32, #tpu.memory_space<vmem>>, vector<16xf32>,
        tpu.vector_store %arg5[%swap3A_92], %gather3A_80 {strides = array<i32>} : memref<65536xf32, #tpu.memory_space<vmem>>, vector<16xf32>,
        %add3A_94 = arith.constant 32 : i32
        %add3A_95 = arith.addi %add3A_85, %add3A_94 : i32
        %swap3A_96 = arith.index_cast %add3A_95 : i32 to index
        %swap3A_97 = tpu.vector_load %arg5[%swap3A_96] {strides = array<i32>} : memref<65536xf32, #tpu.memory_space<vmem>>, vector<16xf32>,
        tpu.vector_store %arg5[%swap3A_96], %gather3A_80 {strides = array<i32>} : memref<65536xf32, #tpu.memory_space<vmem>>, vector<16xf32>,
        %add3A_98 = arith.constant 48 : i32
        %add3A_99 = arith.addi %add3A_85, %add3A_98 : i32
        %swap3A_100 = arith.index_cast %add3A_99 : i32 to index
        %swap3A_101 = tpu.vector_load %arg5[%swap3A_100] {strides = array<i32>} : memref<65536xf32, #tpu.memory_space<vmem>>, vector<16xf32>,
        tpu.vector_store %arg5[%swap3A_100], %gather3A_80 {strides = array<i32>} : memref<65536xf32, #tpu.memory_space<vmem>>, vector<16xf32>,
        %add3A_102 = arith.constant 64 : i32
        %add3A_103 = arith.addi %add3A_85, %add3A_102 : i32
        %swap3A_104 = arith.index_cast %add3A_103 : i32 to index
        %swap3A_105 = tpu.vector_load %arg5[%swap3A_104] {strides = array<i32>} : memref<65536xf32, #tpu.memory_space<vmem>>, vector<16xf32>,
        tpu.vector_store %arg5[%swap3A_104], %gather3A_80 {strides = array<i32>} : memref<65536xf32, #tpu.memory_space<vmem>>, vector<16xf32>,
        %add3A_106 = arith.constant 80 : i32
        %add3A_107 = arith.addi %add3A_85, %add3A_106 : i32
        %swap3A_108 = arith.index_cast %add3A_107 : i32 to index
        %swap3A_109 = tpu.vector_load %arg5[%swap3A_108] {strides = array<i32>} : memref<65536xf32, #tpu.memory_space<vmem>>, vector<16xf32>,
        tpu.vector_store %arg5[%swap3A_108], %gather3A_80 {strides = array<i32>} : memref<65536xf32, #tpu.memory_space<vmem>>, vector<16xf32>,
        %add3A_110 = arith.constant 96 : i32
        %add3A_111 = arith.addi %add3A_85, %add3A_110 : i32
        %swap3A_112 = arith.index_cast %add3A_111 : i32 to index
        %swap3A_113 = tpu.vector_load %arg5[%swap3A_112] {strides = array<i32>} : memref<65536xf32, #tpu.memory_space<vmem>>, vector<16xf32>,
        tpu.vector_store %arg5[%swap3A_112], %gather3A_80 {strides = array<i32>} : memref<65536xf32, #tpu.memory_space<vmem>>, vector<16xf32>,
        %add3A_114 = arith.constant 112 : i32
        %add3A_115 = arith.addi %add3A_85, %add3A_114 : i32
        %swap3A_116 = arith.index_cast %add3A_115 : i32 to index
        %swap3A_117 = tpu.vector_load %arg5[%swap3A_116] {strides = array<i32>} : memref<65536xf32, #tpu.memory_space<vmem>>, vector<16xf32>,
        tpu.vector_store %arg5[%swap3A_116], %gather3A_80 {strides = array<i32>} : memref<65536xf32, #tpu.memory_space<vmem>>, vector<16xf32>,
        %scan3A_118 = arith.constant 0 : i32
        %scan3A_119 = arith.constant 2 : i32
        %scan3A_120 = arith.addi %scan3A_32, %scan3A_119 : i32
        %mul3A_121 = arith.constant 32 : i32
        %mul3A_122 = arith.muli %scan3A_12, %mul3A_121 : i32
        %add3A_123 = arith.addi %mul3A_122, %scan3A_120 : i32
        %broadcast_in_dim3A_124 = vector.broadcast %add3A_123 : i32 to vector<16xi32>
        %gather3A_125 = tpu.vector_load_idx %arg4[%broadcast_in_dim3A_124] : memref<512xf32, #tpu.memory_space<vmem>>[vector<16xi32>], vector<16xf32>,
        %mul3A_126 = arith.constant 4096 : i32
        %mul3A_127 = arith.muli %scan3A_12, %mul3A_126 : i32
        %mul3A_128 = arith.constant 128 : i32
        %mul3A_129 = arith.muli %scan3A_120, %mul3A_128 : i32
        %add3A_130 = arith.addi %mul3A_127, %mul3A_129 : i32
        %add3A_131 = arith.constant 0 : i32
        %add3A_132 = arith.addi %add3A_130, %add3A_131 : i32
        %swap3A_133 = arith.index_cast %add3A_132 : i32 to index
        %swap3A_134 = tpu.vector_load %arg5[%swap3A_133] {strides = array<i32>} : memref<65536xf32, #tpu.memory_space<vmem>>, vector<16xf32>,
        tpu.vector_store %arg5[%swap3A_133], %gather3A_125 {strides = array<i32>} : memref<65536xf32, #tpu.memory_space<vmem>>, vector<16xf32>,
        %add3A_135 = arith.constant 16 : i32
        %add3A_136 = arith.addi %add3A_130, %add3A_135 : i32
        %swap3A_137 = arith.index_cast %add3A_136 : i32 to index
        %swap3A_138 = tpu.vector_load %arg5[%swap3A_137] {strides = array<i32>} : memref<65536xf32, #tpu.memory_space<vmem>>, vector<16xf32>,
        tpu.vector_store %arg5[%swap3A_137], %gather3A_125 {strides = array<i32>} : memref<65536xf32, #tpu.memory_space<vmem>>, vector<16xf32>,
        %add3A_139 = arith.constant 32 : i32
        %add3A_140 = arith.addi %add3A_130, %add3A_139 : i32
        %swap3A_141 = arith.index_cast %add3A_140 : i32 to index
        %swap3A_142 = tpu.vector_load %arg5[%swap3A_141] {strides = array<i32>} : memref<65536xf32, #tpu.memory_space<vmem>>, vector<16xf32>,
        tpu.vector_store %arg5[%swap3A_141], %gather3A_125 {strides = array<i32>} : memref<65536xf32, #tpu.memory_space<vmem>>, vector<16xf32>,
        %add3A_143 = arith.constant 48 : i32
        %add3A_144 = arith.addi %add3A_130, %add3A_143 : i32
        %swap3A_145 = arith.index_cast %add3A_144 : i32 to index
        %swap3A_146 = tpu.vector_load %arg5[%swap3A_145] {strides = array<i32>} : memref<65536xf32, #tpu.memory_space<vmem>>, vector<16xf32>,
        tpu.vector_store %arg5[%swap3A_145], %gather3A_125 {strides = array<i32>} : memref<65536xf32, #tpu.memory_space<vmem>>, vector<16xf32>,
        %add3A_147 = arith.constant 64 : i32
        %add3A_148 = arith.addi %add3A_130, %add3A_147 : i32
        %swap3A_149 = arith.index_cast %add3A_148 : i32 to index
        %swap3A_150 = tpu.vector_load %arg5[%swap3A_149] {strides = array<i32>} : memref<65536xf32, #tpu.memory_space<vmem>>, vector<16xf32>,
        tpu.vector_store %arg5[%swap3A_149], %gather3A_125 {strides = array<i32>} : memref<65536xf32, #tpu.memory_space<vmem>>, vector<16xf32>,
        %add3A_151 = arith.constant 80 : i32
        %add3A_152 = arith.addi %add3A_130, %add3A_151 : i32
        %swap3A_153 = arith.index_cast %add3A_152 : i32 to index
        %swap3A_154 = tpu.vector_load %arg5[%swap3A_153] {strides = array<i32>} : memref<65536xf32, #tpu.memory_space<vmem>>, vector<16xf32>,
        tpu.vector_store %arg5[%swap3A_153], %gather3A_125 {strides = array<i32>} : memref<65536xf32, #tpu.memory_space<vmem>>, vector<16xf32>,
        %add3A_155 = arith.constant 96 : i32
        %add3A_156 = arith.addi %add3A_130, %add3A_155 : i32
        %swap3A_157 = arith.index_cast %add3A_156 : i32 to index
        %swap3A_158 = tpu.vector_load %arg5[%swap3A_157] {strides = array<i32>} : memref<65536xf32, #tpu.memory_space<vmem>>, vector<16xf32>,
        tpu.vector_store %arg5[%swap3A_157], %gather3A_125 {strides = array<i32>} : memref<65536xf32, #tpu.memory_space<vmem>>, vector<16xf32>,
        %add3A_159 = arith.constant 112 : i32
        %add3A_160 = arith.addi %add3A_130, %add3A_159 : i32
        %swap3A_161 = arith.index_cast %add3A_160 : i32 to index
        %swap3A_162 = tpu.vector_load %arg5[%swap3A_161] {strides = array<i32>} : memref<65536xf32, #tpu.memory_space<vmem>>, vector<16xf32>,
        tpu.vector_store %arg5[%swap3A_161], %gather3A_125 {strides = array<i32>} : memref<65536xf32, #tpu.memory_space<vmem>>, vector<16xf32>,
        %scan3A_163 = arith.constant 0 : i32
        %scan3A_164 = arith.constant 3 : i32
        %scan3A_165 = arith.addi %scan3A_32, %scan3A_164 : i32
        %mul3A_166 = arith.constant 32 : i32
        %mul3A_167 = arith.muli %scan3A_12, %mul3A_166 : i32
        %add3A_168 = arith.addi %mul3A_167, %scan3A_165 : i32
        %broadcast_in_dim3A_169 = vector.broadcast %add3A_168 : i32 to vector<16xi32>
        %gather3A_170 = tpu.vector_load_idx %arg4[%broadcast_in_dim3A_169] : memref<512xf32, #tpu.memory_space<vmem>>[vector<16xi32>], vector<16xf32>,
        %mul3A_171 = arith.constant 4096 : i32
        %mul3A_172 = arith.muli %scan3A_12, %mul3A_171 : i32
        %mul3A_173 = arith.constant 128 : i32
        %mul3A_174 = arith.muli %scan3A_165, %mul3A_173 : i32
        %add3A_175 = arith.addi %mul3A_172, %mul3A_174 : i32
        %add3A_176 = arith.constant 0 : i32
        %add3A_177 = arith.addi %add3A_175, %add3A_176 : i32
        %swap3A_178 = arith.index_cast %add3A_177 : i32 to index
        %swap3A_179 = tpu.vector_load %arg5[%swap3A_178] {strides = array<i32>} : memref<65536xf32, #tpu.memory_space<vmem>>, vector<16xf32>,
        tpu.vector_store %arg5[%swap3A_178], %gather3A_170 {strides = array<i32>} : memref<65536xf32, #tpu.memory_space<vmem>>, vector<16xf32>,
        %add3A_180 = arith.constant 16 : i32
        %add3A_181 = arith.addi %add3A_175, %add3A_180 : i32
        %swap3A_182 = arith.index_cast %add3A_181 : i32 to index
        %swap3A_183 = tpu.vector_load %arg5[%swap3A_182] {strides = array<i32>} : memref<65536xf32, #tpu.memory_space<vmem>>, vector<16xf32>,
        tpu.vector_store %arg5[%swap3A_182], %gather3A_170 {strides = array<i32>} : memref<65536xf32, #tpu.memory_space<vmem>>, vector<16xf32>,
        %add3A_184 = arith.constant 32 : i32
        %add3A_185 = arith.addi %add3A_175, %add3A_184 : i32
        %swap3A_186 = arith.index_cast %add3A_185 : i32 to index
        %swap3A_187 = tpu.vector_load %arg5[%swap3A_186] {strides = array<i32>} : memref<65536xf32, #tpu.memory_space<vmem>>, vector<16xf32>,
        tpu.vector_store %arg5[%swap3A_186], %gather3A_170 {strides = array<i32>} : memref<65536xf32, #tpu.memory_space<vmem>>, vector<16xf32>,
        %add3A_188 = arith.constant 48 : i32
        %add3A_189 = arith.addi %add3A_175, %add3A_188 : i32
        %swap3A_190 = arith.index_cast %add3A_189 : i32 to index
        %swap3A_191 = tpu.vector_load %arg5[%swap3A_190] {strides = array<i32>} : memref<65536xf32, #tpu.memory_space<vmem>>, vector<16xf32>,
        tpu.vector_store %arg5[%swap3A_190], %gather3A_170 {strides = array<i32>} : memref<65536xf32, #tpu.memory_space<vmem>>, vector<16xf32>,
        %add3A_192 = arith.constant 64 : i32
        %add3A_193 = arith.addi %add3A_175, %add3A_192 : i32
        %swap3A_194 = arith.index_cast %add3A_193 : i32 to index
        %swap3A_195 = tpu.vector_load %arg5[%swap3A_194] {strides = array<i32>} : memref<65536xf32, #tpu.memory_space<vmem>>, vector<16xf32>,
        tpu.vector_store %arg5[%swap3A_194], %gather3A_170 {strides = array<i32>} : memref<65536xf32, #tpu.memory_space<vmem>>, vector<16xf32>,
        %add3A_196 = arith.constant 80 : i32
        %add3A_197 = arith.addi %add3A_175, %add3A_196 : i32
        %swap3A_198 = arith.index_cast %add3A_197 : i32 to index
        %swap3A_199 = tpu.vector_load %arg5[%swap3A_198] {strides = array<i32>} : memref<65536xf32, #tpu.memory_space<vmem>>, vector<16xf32>,
        tpu.vector_store %arg5[%swap3A_198], %gather3A_170 {strides = array<i32>} : memref<65536xf32, #tpu.memory_space<vmem>>, vector<16xf32>,
        %add3A_200 = arith.constant 96 : i32
        %add3A_201 = arith.addi %add3A_175, %add3A_200 : i32
        %swap3A_202 = arith.index_cast %add3A_201 : i32 to index
        %swap3A_203 = tpu.vector_load %arg5[%swap3A_202] {strides = array<i32>} : memref<65536xf32, #tpu.memory_space<vmem>>, vector<16xf32>,
        tpu.vector_store %arg5[%swap3A_202], %gather3A_170 {strides = array<i32>} : memref<65536xf32, #tpu.memory_space<vmem>>, vector<16xf32>,
        %add3A_204 = arith.constant 112 : i32
        %add3A_205 = arith.addi %add3A_175, %add3A_204 : i32
        %swap3A_206 = arith.index_cast %add3A_205 : i32 to index
        %swap3A_207 = tpu.vector_load %arg5[%swap3A_206] {strides = array<i32>} : memref<65536xf32, #tpu.memory_space<vmem>>, vector<16xf32>,
        tpu.vector_store %arg5[%swap3A_206], %gather3A_170 {strides = array<i32>} : memref<65536xf32, #tpu.memory_space<vmem>>, vector<16xf32>,
        %scan3A_208 = arith.constant 0 : i32
        scf.yield %scan3A_208 : i32
      }
      %scan3A_20 = arith.constant 32 : i32
      %mul3A_21 = arith.constant 4096 : i32
      %mul3A_22 = arith.muli %scan3A_12, %mul3A_21 : i32
      %mul3A_23 = arith.constant 128 : i32
      %mul3A_24 = arith.muli %mul3A_2, %mul3A_23 : i32
      %mul3A_25 = arith.constant 4096 : i32
      %mul3A_26 = arith.muli %scan3A_12, %mul3A_25 : i32
      %add3A_27 = arith.addi %mul3A_24, %mul3A_26 : i32
      %dma_start3A = tpu.memref_slice %arg5[%mul3A_22] : memref<65536xf32, #tpu.memory_space<vmem>> -> memref<4096xf32, #tpu.memory_space<vmem>>
      %dma_start3A_28 = tpu.memref_slice %arg3[%add3A_27] : memref<2097152xf32, #tpu.memory_space<hbm>> -> memref<4096xf32, #tpu.memory_space<hbm>>
      %dma_start3A_29 = tpu.memref_slice %arg3[%add3A_27] : memref<2097152xf32, #tpu.memory_space<hbm>> -> memref<4096xf32, #tpu.memory_space<hbm>>
      %dma_start3A_30 = tpu.memref_slice %arg5[%mul3A_22] : memref<65536xf32, #tpu.memory_space<vmem>> -> memref<4096xf32, #tpu.memory_space<vmem>>
      tpu.enqueue_dma source(%dma_start3A_30 : memref<4096xf32, #tpu.memory_space<vmem>>) target(%dma_start3A_29 : memref<4096xf32, #tpu.memory_space<hbm>>) target_semaphore(%arg6 : memref<!tpu.dma_semaphore, #tpu.memory_space<semaphore_mem>>)
      %scan3A_31 = arith.constant 0 : i32
      scf.yield %scan3A_31 : i32
    }
    %scan3A_8 = arith.constant 16 : i32
    %mul3A_9 = arith.constant 128 : i32
    %mul3A_10 = arith.muli %mul3A_2, %mul3A_9 : i32
    %dma_wait3A = tpu.memref_slice %arg3[%mul3A_10] : memref<2097152xf32, #tpu.memory_space<hbm>> -> memref<65536xf32, #tpu.memory_space<hbm>>
    %dma_wait3A_11 = tpu.memref_slice %arg3[%mul3A_10] : memref<2097152xf32, #tpu.memory_space<hbm>> -> memref<65536xf32, #tpu.memory_space<hbm>>
    tpu.wait_dma2 semaphore(%arg6 : memref<!tpu.dma_semaphore, #tpu.memory_space<semaphore_mem>>) src(%arg5 : memref<65536xf32, #tpu.memory_space<vmem>>) dst(%dma_wait3A_11 : memref<65536xf32, #tpu.memory_space<hbm>>)
    return
  }
}

</mosaic_0001>

<sc_bundles>
// kernel: kernel.3.cloned.1.call-start
scs
__scs_entry_jumppad:
0x0: {  	(pc) =	sbr.rel $0x88, $3  }
0x1: {  	(tag) =	ssettag $0x0;
	lr =	simm.s32 $0x1  }
0x2: {  	[smem:$0x3FA0] =	sst lr;
	_ =	strace $0xD0000000  }
0x3: {  	_ = 	snop  }
0x4: {  	_ = 	snop  }
0x5: {  	_ = 	snop  }
0x6: {  	_ = 	snop  }
0x7: {  	_ = 	snop  }
__scs_overlays_trampoline_lowered:
0x8: {  	[smem:$0x3FAF] =	sst s0  }
0x9: {  	[smem:$0x3FB0] =	sst s1  }
0xa: {  	[smem:$0x3FB1] =	sst s2  }
0xb: {  	[smem:$0x3FB2] =	sst s3  }
0xc: {  	[smem:$0x3FB3] =	sst s4  }
0xd: {  	[smem:$0x3FB4] =	sst s5  }
0xe: {  	[smem:$0x3FB5] =	sst s6  }
0xf: {  	[smem:$0x3FB6] =	sst s7  }
0x10: {  	[smem:$0x3FB7] =	sst s8  }
0x11: {  	[smem:$0x3FB8] =	sst s9;
	s0 =	simm.s32 @!p0 $0x0  }
0x12: {  	s1 =	sld [smem:$0x3F9E];
	s0 =	simm.s32 @p0 $0x1  }
0x13: {  	[smem:$0x3FB9] =	sst s0;
	s0 =	simm.s32 @!p1 $0x0  }
0x14: {  	s2 =	sld [smem:$0x3F9D];
	s0 =	simm.s32 @p1 $0x1  }
0x15: {  	[smem:$0x3FBA] =	sst s0;
	s0 =	simm.s32 @!p2 $0x0  }
0x16: {  	s3 =	sld [smem:$0x3FDB];
	s0 =	simm.s32 @p2 $0x1  }
0x17: {  	s4 =	simm.s32 $0x1BF5;
	[smem:$0x3FBC] =	sst s0  }
0x18: {  	s0 =	sld [smem:$0x3F9F];
	_ =	swait.ge [sflag:s4], $0x0  }
0x19: {  	s7 =	sld [smem:$0x3FA0]  }
0x1a: {  	s8 =	sadd.s32 $0xFFFFE003, lr  }
0x1b: {  	s9 =	sadd.s32 $0xFFFFFEF7, lr;
	s5 =	simm.s32 $0xFFFFFFFF;
	p2 =	slt.u32 s8, $0xFFFFF086  }
0x1c: {  	p1 =	slt.u32 s9, $0xF7A;
	s5 =	simm.s32 @!p2 $0x0  }
0x1d: {  	s5 =	simm.s32 @p1 $0x1;
	p0 =	seq.s32 s7, s2  }
0x1e: {  	s7 =	smul.u32 @!p0 $0xF7A, s2;
	p2 =	seq.s32 @!p0 s5, $0x0  }
0x1f: {  	s9 =	smul.u32 $0xF7A, s1;
	s8 =	simm.s32 @!p0 $0x1BF5;
	p2 =	por !p2, p0  }
0x20: {  	[sflag:s8] =	ssyncset.s32 @!p0 $0xFFFFF086;
	s6 =	sadd.s32 @!p0 s3, s7;
	s7 =	simm.s32 @!p0 $0x108  }
0x21: {  	s3 =	sadd.s32 s3, s9;
	s6 =	sadd.s32 @!p0 $0x88, s6;
	s7 =	simm.s32 @p2 $0x1082  }
0x22: {  	[simem:s7], [sflag:s8] =	dma.local @!p0 [hbm:s6], $0xF7A  }
0x23: {  	s9 =	sor.u32 $0xD0000000, s2;
	s6 =	simm.s32 $0x108;
	_ =	swait.ge @!p0 [sflag:s8], $0x0  }
0x24: {  	s3 =	sadd.s32 $0x88, s3;
	s6 =	simm.s32 @!p1 $0x1082;
	[sflag:s4] =	ssyncset.s32 $0xFFFFF086  }
0x25: {  	[simem:s6], [sflag:s4] =	dma.local [hbm:s3], $0xF7A  }
0x26: {  	[smem:$0x3FA0] =	sst s1;
	(tag) =	ssettag s2;
	_ =	strace s9  }
0x27: {  	s1 =	sld [smem:$0x3FB0]  }
0x28: {  	s2 =	sld [smem:$0x3FB1]  }
0x29: {  	s4 =	sld [smem:$0x3FB3]  }
0x2a: {  	p0 =	seq.s32 s5, $0x0;
	s5 =	sld [smem:$0x3FB4]  }
0x2b: {  	s6 =	sld [smem:$0x3FB5]  }
0x2c: {  	s7 =	sld [smem:$0x3FB6]  }
0x2d: {  	s3 =	simm.s32 $0x108;
	s8 =	sld [smem:$0x3FB7]  }
0x2e: {  	s3 =	simm.s32 @!p0 $0x1082;
	s9 =	sld [smem:$0x3FB8]  }
0x2f: {  	lr =	sadd.s32 s0, s3;
	s0 =	sld [smem:$0x3FAF]  }
0x30: {  	s3 =	sld [smem:$0x3FB2]  }
0x31: {  	[smem:$0x3FBB] =	sst s10  }
0x32: {  	s10 =	sld [smem:$0x3FB9];
	_ =	sdelay $0x3  }
0x33: {  	p0 =	seq.s32 s10, $0x1;
	s10 =	sld [smem:$0x3FBB];
	_ =	sdelay $0x3  }
0x34: {  	[smem:$0x3FBB] =	sst s10  }
0x35: {  	s10 =	sld [smem:$0x3FBA];
	_ =	sdelay $0x3  }
0x36: {  	p1 =	seq.s32 s10, $0x1;
	s10 =	sld [smem:$0x3FBB];
	_ =	sdelay $0x3  }
0x37: {  	[smem:$0x3FBB] =	sst s10  }
0x38: {  	s10 =	sld [smem:$0x3FBC]  }
0x39: {  	_ = 	snop;
	(pc) =	sbr.ind lr, $3  }
0x3a: {  	_ = 	snop  }
0x3b: {  	_ = 	snop  }
0x3c: {  	p2 =	seq.s32 s10, $0x1;
	s10 =	sld [smem:$0x3FBB]  }
0x3d: {  	_ =	shalt  }
0x3e: {  	_ =	shalt  }
0x3f: {  	_ =	shalt  }
0x40: {  	_ =	shalt  }
0x41: {  	_ =	shalt  }
0x42: {  	_ =	shalt  }
0x43: {  	_ =	shalt  }
0x44: {  	_ =	shalt  }
0x45: {  	_ =	shalt  }
0x46: {  	_ =	shalt  }
0x47: {  	_ =	shalt  }
0x48: {  	_ =	shalt  }
0x49: {  	_ =	shalt  }
0x4a: {  	_ =	shalt  }
0x4b: {  	_ =	shalt  }
0x4c: {  	_ =	shalt  }
0x4d: {  	_ =	shalt  }
0x4e: {  	_ =	shalt  }
0x4f: {  	_ =	shalt  }
0x50: {  	_ =	shalt  }
0x51: {  	_ =	shalt  }
0x52: {  	_ =	shalt  }
0x53: {  	_ =	shalt  }
0x54: {  	_ =	shalt  }
0x55: {  	_ =	shalt  }
0x56: {  	_ =	shalt  }
0x57: {  	_ =	shalt  }
0x58: {  	_ =	shalt  }
0x59: {  	_ =	shalt  }
0x5a: {  	_ =	shalt  }
0x5b: {  	_ =	shalt  }
0x5c: {  	_ =	shalt  }
0x5d: {  	_ =	shalt  }
0x5e: {  	_ =	shalt  }
0x5f: {  	_ =	shalt  }
0x60: {  	_ =	shalt  }
0x61: {  	_ =	shalt  }
0x62: {  	_ =	shalt  }
0x63: {  	_ =	shalt  }
0x64: {  	_ =	shalt  }
0x65: {  	_ =	shalt  }
0x66: {  	_ =	shalt  }
0x67: {  	_ =	shalt  }
0x68: {  	_ =	shalt  }
0x69: {  	_ =	shalt  }
0x6a: {  	_ =	shalt  }
0x6b: {  	_ =	shalt  }
0x6c: {  	_ =	shalt  }
0x6d: {  	_ =	shalt  }
0x6e: {  	_ =	shalt  }
0x6f: {  	_ =	shalt  }
0x70: {  	_ =	shalt  }
0x71: {  	_ =	shalt  }
0x72: {  	_ =	shalt  }
0x73: {  	_ =	shalt  }
0x74: {  	_ =	shalt  }
0x75: {  	_ =	shalt  }
0x76: {  	_ =	shalt  }
0x77: {  	_ =	shalt  }
0x78: {  	_ =	shalt  }
0x79: {  	_ =	shalt  }
0x7a: {  	_ =	shalt  }
0x7b: {  	_ =	shalt  }
0x7c: {  	_ =	shalt  }
0x7d: {  	_ =	shalt  }
0x7e: {  	_ =	shalt  }
0x7f: {  	_ =	shalt  }
0x80: {  	_ =	shalt  }
0x81: {  	_ =	shalt  }
0x82: {  	_ =	shalt  }
0x83: {  	_ =	shalt  }
0x84: {  	_ =	shalt  }
0x85: {  	_ =	shalt  }
0x86: {  	_ =	shalt  }
0x87: {  	_ =	shalt  }
.Lfunc_end0:
.L_simem_size_0:
called_computation_lowered:
.L_overlay_start_0:
0x88: {  	s2 =	sld [smem:$0x3FD9]  }
0x89: {  	s3 =	sld [smem:$0x3FFE];
	_ =	sdelay $0x1  }
0x8a: {  	s1 =	srdreg.scid  }
0x8b: {  	s0 =	sand.u32 $0x1, s1  }
0x8c: {  	s18 =	sshll.u32 s0, $0xA;
	s2 =	sadd.s32 s3, s2  }
0x8d: {  	s2 =	sadd.s32 s2, s18  }
0x8e: {  	[smem:$0x3FC7] =	sst s2  }
0x8f: {  	_ = 	snop  }
0x90: {  	s2 =	sld [smem:$0x3FC9]  }
0x91: {  	s19 =	sld [smem:$0x3FD0];
	(tm) =	ssettm $0x1  }
0x92: {  	s4 =	sld [smem:$0x3FFB];
	_ =	sdelay $0x3  }
0x93: {  	_ =	strace s4  }
0x94: {  	s4 =	sld [smem:$0x3FFC];
	_ =	sdelay $0x3  }
0x95: {  	_ =	strace s4  }
0x96: {  	s4 =	sld [smem:$0x3FFD];
	_ =	sdelay $0x3  }
0x97: {  	_ =	strace s4  }
0x98: {  	_ =	strace $0x8FFFFFFF  }
0x99: {  	s20 =	sld [smem:$0x3FDB];
	_ =	sdelay $0x1  }
0x9a: {  	s5 =	simm.s32 $_scs_section_size  }
0x9b: {  	s6 =	simm.s32 $_size__tile_overlayer_lowered;
	s7 =	simm.s32 $_tile_overlayer_lowered  }
0x9c: {  	s23 =	simm.s32 $0x1BFF;
	s22 =	sshll.u32 s7, $0x1;
	s4 =	sadd.s32 s5, s20  }
0x9d: {  	s8 =	simm.s32 $0x0;
	s21 =	sshll.u32 s6, $0x1;
	s6 =	sadd.s32 s22, s4  }
0x9e: {  	[timem:s8], [sflag:s23] =	dma.local [hbm:s6], s21  }
0x9f: {  	_ =	swait.ge [sflag:s23], s21  }
0xa0: {  	s5 =	ssub.s32 $0x0, s21;
	[sflag:s23] =	ssyncset.done $0x0  }
0xa1: {  	[sflag:s23] =	ssyncadd.s32 s5;
	_ =	sdelay $0x1  }
0xa2: {  	s24 =	simm.s32 $0x1B8B  }
0xa3: {  	_ =	swait.ge [sflag:s24], $0x1  }
0xa4: {  	[sflag:s24] =	ssyncset.done $0x0  }
0xa5: {  	s25 =	simm.s32 $0x1B8E;
	[sflag:s24] =	ssyncadd.s32 $0xFFFFFFFF  }
0xa6: {  	s26 =	simm.s32 $execute0_lowered;
	[smem:$0x3FD2] =	sst s25  }
0xa7: {  	s5 =	sshll.u32 s26, $0x1;
	_ =	strace $0x80000046;
	[dreg:$0x1] =	wrdreg $0xFFFFFFFF  }
0xa8: {  	s28 =	simm.s32 $_size_execute0_lowered;
	s4 =	sadd.s32 s4, s5;
	[dreg:$0x0] =	wrdreg $0x0  }
0xa9: {  	s5 =	sshll.u32 s28, $0x1;
	[dreg:$0x2] =	wrdreg s4  }
0xaa: {  	[dreg:$0x3] =	wrdreg s5  }
0xab: {  	[dreg:$0x4] =	wrdreg $0xC0  }
0xac: {  	_ =	task [dreg:s8], $0x5FFFF  }
0xad: {  	[dreg:$0x1] =	wrdreg $0xFFFFFFFF  }
0xae: {  	[dreg:$0x0] =	wrdreg $0x60  }
0xaf: {  	[dreg:$0x2] =	wrdreg s2  }
0xb0: {  	[dreg:$0x3] =	wrdreg s19  }
0xb1: {  	[dreg:$0x4] =	wrdreg $0x9  }
0xb2: {  	_ =	task.clear_ibuf [dreg:s8], $0x5FFFF;
	_ =	strace $0x90000046  }
0xb3: {  	s29 =	simm.s32 $0x9;
	_ =	strace $0x80000048  }
0xb4: {  	_ =	swait.ge [sflag:s29], $0x1  }
0xb5: {  	[sflag:s29] =	ssyncadd.s32 $0xFFFFFFFF  }
0xb6: {  	_ =	strace $0x90000048  }
0xb7: {  	_ =	sfence  }
0xb8: {  	s30 =	sld [smem:$0x0];
	_ =	sdelay $0x2  }
0xb9: {  	s31 =	sshll.u32 s1, $0xD;
	s1 =	sshrl.u32 s1, $0x2  }
0xba: {  	s3 =	sand.u32 $0x4000, s31;
	s1 =	sadd.s32 s1, s30  }
0xbb: {  	s0 =	sor.u32 s3, s0;
	s1 =	sshll.u32 s1, $0x11  }
0xbc: {  	s0 =	sor.u32 s1, s0  }
0xbd: {  	s0 =	sadd.s32 $0x8F2B, s0  }
0xbe: {  	[sflag:s0] =	ssyncadd.remote.s32 $0x1  }
0xbf: {  	_ =	sfence.sel $0xFFFF  }
0xc0: {  	[dreg:$0x0] =	wrdreg $0xFFFFFFFF;
	(pc) =	sbr.abs _section_cstart, $3  }
0xc1: {  	[dreg:$0x1] =	wrdreg $0xFFFFFFFF  }
0xc2: {  	_ =	task.clear_ibuf [dreg:s8], $0x2FFFF;
	_ =	strace $0x9FFFFFFF  }
0xc3: {  	(tm) =	ssettm $0x7FFFFFFF  }
tec
execute0_lowered:
.L_overlay_start_1:
0x0: {  	(tag) =	ssettag $0x1  }
0x1: {  	s4 =	rddreg [dreg:$0x0]  }
0x2: {  	s2 =	rddreg [dreg:$0x1];
	s3 =	srdreg.scid  }
0x3: {  	s0 =	rddreg [dreg:$0x2];
	s1 =	stileid.u32;
	s9 =	simm.s32 $0x0  }
0x4: {  	s5 =	sand.u32 $0x1, s3;
	s3 =	simm.s32 $0x0;
	s7 =	sshll.u32 s1, $0x1  }
0x5: {  	s6 =	ssub.s32 $0x2, s5;
	[smem:$0x7FF] =	sst s3;
	s5 =	sor.u32 s5, s7  }
0x6: {  	s8 =	sshrl.u32 s6, $0x1;
	_ =	strace $0x80000047;
	s7 =	sshll.u32 s5, $0x6  }
0x7: {  	s5 =	sshll.u32 s5, $0x10;
	s6 =	ssub.s32 s6, s8;
	s4 =	sadd.s32 s4, s7  }
0x8: {  	s7 =	simm.s32 $0x2;
	s8 =	simm.s32 $0x1;
	s6 =	smax.u32 s6, $0x1  }
.LBB2_1:
0x9: {  	[tilespmem:s3], [sflag:$0x2] =	stream.linear.gather [hbm4b:s4+s3], $0x200, $0x38;
	[tilespmem:$0x10200] =	vst v63  }
0xa: {  	_ =	swait.ge [sflag:s7], $0x200  }
0xb: {  	s10 =	simm.s32 $0x300;
	[sflag:s7] =	ssyncset.done $0x0  }
0xc: {  	s11 =	simm.s32 $0x0;
	s12 =	simm.s32 $0x0;
	[sflag:s7] =	ssyncadd.s32 $0xFFFFFE00  }
.LBB2_2:
0xd: {  	s15 =	sadd.s32 $0xFFFFFFFC, s11  }
0xe: {  	s13 =	sadd.s32 $0x4, s15  }
0xf: {  	v0 =	vmov s13  }
0x10: {  	v0 =	vand.u32 $0xFFFFFFFC, v0  }
0x11: {  	v0 =	vbroadcast v0, $0x0;
	_ =	sdelay $0x5  }
0x12: {  	v0 =	vld.idx.msk [tilespmem:v0+s3+$0x0], $0xffff;
	_ =	sdelay $0x3  }
0x13: {  	s30 =	sadd.s32 $0x5, s15  }
0x14: {  	v1 =	vmov s30;
	[tilespmem:s10+$0xFFFFFF70] =	vst v0  }
0x15: {  	v1 =	vand.u32 $0xFFFFFFFD, v1;
	[tilespmem:s10+$0xFFFFFF60] =	vst v0  }
0x16: {  	v1 =	vbroadcast v1, $0x0;
	[tilespmem:s10+$0xFFFFFF50] =	vst v0  }
0x17: {  	[tilespmem:s10+$0xFFFFFF40] =	vst v0  }
0x18: {  	[tilespmem:s10+$0xFFFFFF30] =	vst v0  }
0x19: {  	[tilespmem:s10+$0xFFFFFF20] =	vst v0  }
0x1a: {  	[tilespmem:s10+$0xFFFFFF00] =	vst v0  }
0x1b: {  	[tilespmem:s10+$0xFFFFFF10] =	vst v0  }
0x1c: {  	v0 =	vld.idx.msk [tilespmem:v1+s3+$0x0], $0xffff;
	_ =	sdelay $0x3  }
0x1d: {  	s31 =	sadd.s32 $0x6, s15  }
0x1e: {  	v1 =	vmov s31;
	[tilespmem:s10+$0xFFFFFFF0] =	vst v0  }
0x1f: {  	v1 =	vand.u32 $0xFFFFFFFE, v1;
	[tilespmem:s10+$0xFFFFFF90] =	vst v0  }
0x20: {  	s14 =	sshll.u32 s12, $0xC;
	s16 =	simm.s32 $0x0;
	s17 =	smov.u32 s10;
	v1 =	vbroadcast v1, $0x0;
	[tilespmem:s10+$0xFFFFFFE0] =	vst v0  }
0x21: {  	s18 =	sadd.s32 $0x7, s15;
	s15 =	smov.u32 s10;
	s13 =	sor.u32 $0x200, s14;
	[tilespmem:s10+$0xFFFFFFA0] =	vst v0  }
.LBB2_3:
0x22: {  	[tilespmem:s15+$0xFFFFFFC0] =	vst v0;
	s17 =	sadd.s32 $0x200, s17;
	s19 =	smov.u32 s16;
	s16 =	sadd.s32 $0x4, s16  }
0x23: {  	p0 =	slt.u32 s16, $0x1C;
	[tilespmem:s15+$0xFFFFFFD0] =	vst v0  }
0x24: {  	[tilespmem:s15+$0xFFFFFF80] =	vst v0  }
0x25: {  	[tilespmem:s15+$0xFFFFFFB0] =	vst v0  }
0x26: {  	v0 =	vld.idx.msk [tilespmem:v1+s3+$0x0], $0xffff;
	_ =	sdelay $0x5  }
0x27: {  	[tilespmem:s15+$0x0] =	vst v0  }
0x28: {  	[tilespmem:s15+$0x10] =	vst v0  }
0x29: {  	[tilespmem:s15+$0x20] =	vst v0  }
0x2a: {  	v1 =	vmov s18;
	[tilespmem:s15+$0x30] =	vst v0  }
0x2b: {  	[tilespmem:s15+$0x40] =	vst v0  }
0x2c: {  	[tilespmem:s15+$0x50] =	vst v0  }
0x2d: {  	[tilespmem:s15+$0x70] =	vst v0  }
0x2e: {  	[tilespmem:s15+$0x60] =	vst v0  }
0x2f: {  	v0 =	vld.idx.msk [tilespmem:v1+s3+$0x0], $0xffff  }
0x30: {  	s18 =	sadd.s32 s19, s11  }
0x31: {  	s19 =	sadd.s32 $0x4, s18;
	s20 =	sadd.s32 $0x5, s18;
	s21 =	sadd.s32 $0x6, s18  }
0x32: {  	s18 =	sadd.s32 $0x7, s18;
	v2 =	vmov s20;
	v3 =	vmov s21;
	v1 =	vmov s19  }
0x33: {  	v2 =	vand.u32 $0xFFFFFFFD, v2;
	v3 =	vand.u32 $0xFFFFFFFE, v3;
	v1 =	vand.u32 $0xFFFFFFFC, v1  }
0x34: {  	v1 =	vbroadcast v1, $0x0  }
0x35: {  	[tilespmem:s15+$0x80] =	vst v0  }
0x36: {  	[tilespmem:s15+$0x90] =	vst v0  }
0x37: {  	[tilespmem:s15+$0xA0] =	vst v0  }
0x38: {  	[tilespmem:s15+$0xB0] =	vst v0  }
0x39: {  	[tilespmem:s15+$0xC0] =	vst v0  }
0x3a: {  	[tilespmem:s15+$0xD0] =	vst v0  }
0x3b: {  	[tilespmem:s15+$0xE0] =	vst v0  }
0x3c: {  	[tilespmem:s15+$0xF0] =	vst v0;
	s15 =	smov.u32 s17  }
0x3d: {  	v0 =	vld.idx.msk [tilespmem:v1+s3+$0x0], $0xffff;
	_ =	sdelay $0x5  }
0x3e: {  	[tilespmem:s17+$0xFFFFFF70] =	vst v0  }
0x3f: {  	[tilespmem:s17+$0xFFFFFF60] =	vst v0  }
0x40: {  	v1 =	vbroadcast v2, $0x0;
	[tilespmem:s17+$0xFFFFFF50] =	vst v0  }
0x41: {  	[tilespmem:s17+$0xFFFFFF40] =	vst v0  }
0x42: {  	[tilespmem:s17+$0xFFFFFF30] =	vst v0  }
0x43: {  	[tilespmem:s17+$0xFFFFFF20] =	vst v0  }
0x44: {  	[tilespmem:s17+$0xFFFFFF00] =	vst v0  }
0x45: {  	[tilespmem:s17+$0xFFFFFF10] =	vst v0  }
0x46: {  	v0 =	vld.idx.msk [tilespmem:v1+s3+$0x0], $0xffff;
	_ =	sdelay $0x4  }
.Ltmp0:
0x47: {  	(pc) =	sbr.rel @p0 .LBB2_3-.Ltmp0, $4  }
0x48: {  	[tilespmem:s17+$0xFFFFFFF0] =	vst v0  }
0x49: {  	[tilespmem:s17+$0xFFFFFF90] =	vst v0  }
0x4a: {  	v1 =	vbroadcast v3, $0x0;
	[tilespmem:s17+$0xFFFFFFE0] =	vst v0  }
0x4b: {  	[tilespmem:s17+$0xFFFFFFA0] =	vst v0  }
0x4c: {  	[tilespmem:s15+$0xFFFFFFC0] =	vst v0  }
0x4d: {  	[tilespmem:s15+$0xFFFFFFD0] =	vst v0  }
0x4e: {  	[tilespmem:s15+$0xFFFFFF80] =	vst v0  }
0x4f: {  	[tilespmem:s15+$0xFFFFFFB0] =	vst v0  }
0x50: {  	v0 =	vld.idx.msk [tilespmem:v1+s3+$0x0], $0xffff;
	_ =	sdelay $0x4  }
0x51: {  	[tilespmem:s15+$0x0] =	vst v0  }
0x52: {  	[tilespmem:s15+$0x10] =	vst v0  }
0x53: {  	[tilespmem:s15+$0x20] =	vst v0  }
0x54: {  	v63 =	vmov s18;
	[tilespmem:s15+$0x30] =	vst v0  }
0x55: {  	[tilespmem:s15+$0x40] =	vst v0  }
0x56: {  	[tilespmem:s15+$0x50] =	vst v0  }
0x57: {  	[tilespmem:s15+$0x70] =	vst v0  }
0x58: {  	[tilespmem:s15+$0x60] =	vst v0  }
0x59: {  	v0 =	vld.idx.msk [tilespmem:v63+s3+$0x0], $0xffff;
	_ =	sdelay $0x4  }
0x5a: {  	[tilespmem:s15+$0x80] =	vst v0  }
0x5b: {  	[tilespmem:s15+$0x90] =	vst v0  }
0x5c: {  	s12 =	sadd.s32 $0x1, s12;
	[tilespmem:s15+$0xA0] =	vst v0  }
0x5d: {  	p0 =	sne.s32 s12, $0x10;
	[tilespmem:s15+$0xB0] =	vst v0  }
.Ltmp1:
0x5e: {  	[tilespmem:s15+$0xC0] =	vst v0;
	(pc) =	sbr.rel @p0 .LBB2_2-.Ltmp1, $4  }
0x5f: {  	s14 =	sadd.s32 s5, s14;
	[tilespmem:s15+$0xD0] =	vst v0  }
0x60: {  	s14 =	sshrl.u32 s14, $0x3;
	[tilespmem:s15+$0xE0] =	vst v0  }
0x61: {  	s11 =	sadd.s32 $0x20, s11;
	s10 =	sadd.s32 $0x1000, s10;
	s14 =	sadd.s32 s2, s14;
	[tilespmem:s15+$0xF0] =	vst v0  }
0x62: {  	[hbm4b:s14+s3] =	stream.linear.scatter [tilespmem:s13], [sflag:$0x1], $0x1000, $0x38;
	[tilespmem:$0x10200] =	vst v63  }
0x63: {  	s9 =	sadd.s32 $0x1, s9  }
0x64: {  	p0 =	sne.s32 s9, s6  }
.Ltmp2:
0x65: {  	_ = 	snop;
	(pc) =	sbr.rel @p0 .LBB2_1-.Ltmp2, $4  }
0x66: {  	_ = 	snop  }
0x67: {  	_ =	swait.ge [sflag:s8], $0x10000  }
0x68: {  	[sflag:s8] =	ssyncset.done $0x0  }
0x69: {  	[sflag:s8] =	ssyncadd.s32 $0xFFFF0000  }
0x6a: {  	_ =	sfence.sel $0x180000  }
0x6b: {  	[bflag:$0x0] =	sbarrier.arrive $0xFFFF  }
0x6c: {  	p0 =	sne.s32 s1, $0x0;
	_ =	strace $0x90000047  }
0x6d: {  	s0 =	sadd.s32 @!p0 $0x100000, s0;
	[bflag:$0x2] =	sbarrier.arrive $0xFFFF  }
0x6e: {  	[sflag:s0] =	ssyncadd.tile.s32 @!p0 $0x1;
	_ =	shalt  }
.Lfunc_end2:
_tile_overlayer_lowered:
.L_overlay_start_2:
0x6f: {  	(tag) =	ssettag $0x2  }
0x70: {  	s0 =	rddreg [dreg:$0x0];
	s2 =	stileid.u32  }
0x71: {  	s1 =	rddreg [dreg:$0x1];
	p0 =	sne.s32 s2, $0x0  }
0x72: {  	s3 =	rddreg [dreg:$0x2];
	[bflag:$0x3] =	sbarrier.arrive $0xFFFF;
	s2 =	simm.s32 @!p0 $0x1C02  }
0x73: {  	[timem:s3], [sflag:s2] =	dma.local @!p0 [hbm:s0], s1  }
0x74: {  	s0 =	simm.s32 @!p0 $0x2  }
0x75: {  	_ =	swait.ge @!p0 [sflag:s0], s1  }
0x76: {  	s1 =	ssub.s32 @!p0 $0x0, s1;
	[sflag:s0] =	ssyncset.done @!p0 $0x0  }
0x77: {  	[sflag:s0] =	ssyncadd.s32 @!p0 s1  }
0x78: {  	[bflag:$0x3] =	sbarrier.arrive $0xFFFF  }
0x79: {  	_ =	shalt  }

</sc_bundles>
